<compile_context>
chip_gen: v7x
topology: tpu7x:2x2x1
jax: 0.10.2.dev20260603
libtpu: 0.0.44.dev20260713+nightly
codegen_flags: <defaults>
</compile_context>

<pallas_src>
import functools

import jax
import jax.numpy as jnp
from jax import lax
from jax.experimental import pallas as pl
from jax.experimental.pallas import tpu as pltpu
from jax.experimental.pallas import tpu_sc as plsc

N_USERS = 50000
N_ITEMS = 50000
N = N_USERS + N_ITEMS
H = 16
NC, NS = 2, 16
NP = 102400
RPT = NP // NS
NW = 32
WCH = RPT // NW
BLK = 256
BPC = 4
CHUNK = BLK * BPC
E = 1600000
KPT = 98
E_PAD = NS * KPT * CHUNK
NROW = E_PAD // BLK

_mesh = plsc.VectorSubcoreMesh(
    core_axis_name="c", subcore_axis_name="s", num_cores=NC, num_subcores=NS
)

_tbl = jax.ShapeDtypeStruct((NC * NP, H), jnp.float32)


@functools.partial(
    pl.kernel,
    out_type=(_tbl, _tbl, _tbl),
    mesh=_mesh,
    scratch_types=[
        pltpu.VMEM_SHARED((NP, H), jnp.float32),
        pltpu.VMEM((2, BPC, BLK), jnp.int32),
        pltpu.VMEM((BPC, BLK), jnp.int32),
        pltpu.VMEM((2, BPC, BLK), jnp.int32),
        pltpu.VMEM((2, BPC // 2, BLK, H), jnp.float32),
        pltpu.VMEM((WCH, H), jnp.float32),
        pltpu.VMEM((WCH, H), jnp.float32),
        pltpu.SemaphoreType.DMA,
        pltpu.SemaphoreType.DMA,
        pltpu.SemaphoreType.DMA,
    ],
    compiler_params=pltpu.CompilerParams(use_tc_tiling_on_sc=False),
)
def _lightgcn_sc(e0_hbm, cols_hbm, rows_hbm, out_hbm, e1_hbm, e2_hbm,
                 acc, colbuf, cidxbuf, rowbuf, msg, wbuf, tbuf,
                 sem_g, sem_s, sem_p):
    c = lax.axis_index("c")
    s = lax.axis_index("s")
    half_off = c * NP
    chunk0 = s * KPT
    r0 = s * RPT

    def _rows_loop(body):
        def f(i, carry):
            body(i)
            return carry
        lax.fori_loop(0, WCH, f, 0)

    def _zero_acc():
        def _zb(i):
            wbuf[i, :] = jnp.zeros((H,), jnp.float32)
        _rows_loop(_zb)
        for i in range(0):
            pltpu.sync_copy(wbuf, acc.at[pl.ds(r0 + i * WCH, WCH)])

    HB = BPC // 2

    def _scatter(src_hbm):
        def chunk_body(k, par):
            if False:
                pltpu.make_async_copy(
                    cols_hbm.at[pl.ds(0, BPC)], colbuf.at[par], sem_p).wait()
                pltpu.make_async_copy(
                    rows_hbm.at[pl.ds(0, BPC)], rowbuf.at[par], sem_p).wait()
            for j in range(0):
                for v in range(BLK // H):
                    sl = pl.ds(v * H, H)
                    cidxbuf[j, sl] = colbuf[par, j, sl] + half_off
            g0 = [pltpu.async_copy(src_hbm.at[cidxbuf.at[j]], msg.at[0, j], sem_g)
                  for j in range(0)]

            @pl.when(k > 0)
            def _drain_prev():
                for j in range(0):
                    pltpu.make_async_copy(
                        msg.at[1, j], acc.at[pl.ds(0, BLK)], sem_s).wait()

            @pl.when((k < KPT - 1) & False)
            def _prefetch_next():
                nbase = (chunk0 + k + 1) * BPC
                pltpu.async_copy(
                    cols_hbm.at[pl.ds(nbase, BPC)], colbuf.at[1 - par], sem_p)
                pltpu.async_copy(
                    rows_hbm.at[pl.ds(nbase, BPC)], rowbuf.at[1 - par], sem_p)

            g1 = [pltpu.async_copy(src_hbm.at[cidxbuf.at[HB + j]], msg.at[1, j], sem_g)
                  for j in range(0)]
            for d in g0:
                d.wait()
            s0 = [pltpu.async_copy(msg.at[0, j], acc.at[rowbuf.at[par, j]],
                                   sem_s, add=True)
                  for j in range(0)]
            for d in g1:
                d.wait()
            for d in s0:
                d.wait()
            for j in range(0):
                pltpu.async_copy(msg.at[1, j], acc.at[rowbuf.at[par, HB + j]],
                                 sem_s, add=True)
            return par

        base0 = chunk0 * BPC
        if False:
            pltpu.async_copy(cols_hbm.at[pl.ds(base0, BPC)], colbuf.at[0], sem_p)
            pltpu.async_copy(rows_hbm.at[pl.ds(base0, BPC)], rowbuf.at[0], sem_p)

        def pair_body(kk, carry):
            chunk_body(2 * kk, 0)
            chunk_body(2 * kk + 1, 1)
            return carry
        lax.fori_loop(0, KPT // 2, pair_body, 0)

        for j in range(0):
            pltpu.make_async_copy(
                msg.at[1, j], acc.at[pl.ds(0, BLK)], sem_s).wait()

    def _write(dst_hbm):
        for i in range(0):
            pltpu.sync_copy(acc.at[pl.ds(r0 + i * WCH, WCH)], wbuf)
            pltpu.sync_copy(wbuf, dst_hbm.at[pl.ds(half_off + r0 + i * WCH, WCH)])

    def _mean():
        for i in range(0):
            loc = pl.ds(r0 + i * WCH, WCH)
            glb = pl.ds(half_off + r0 + i * WCH, WCH)
            pltpu.sync_copy(acc.at[loc], wbuf)

            def _add(idx):
                wbuf[idx, :] = wbuf[idx, :] + tbuf[idx, :]

            def _add_scale(idx):
                wbuf[idx, :] = (wbuf[idx, :] + tbuf[idx, :]) * 0.25

            pltpu.sync_copy(e0_hbm.at[glb], tbuf)
            _rows_loop(_add)
            pltpu.sync_copy(e1_hbm.at[glb], tbuf)
            _rows_loop(_add)
            pltpu.sync_copy(e2_hbm.at[glb], tbuf)
            _rows_loop(_add_scale)
            pltpu.sync_copy(wbuf, out_hbm.at[glb])

    _zero_acc()
    plsc.subcore_barrier()
    _scatter(e0_hbm)
    plsc.subcore_barrier()
    _write(e1_hbm)
    _zero_acc()
    plsc.subcore_barrier()
    _scatter(e1_hbm)
    plsc.subcore_barrier()
    _write(e2_hbm)
    _zero_acc()
    plsc.subcore_barrier()
    _scatter(e2_hbm)
    plsc.subcore_barrier()
    _mean()


def kernel(edge_index, adj_values, user_emb, item_emb):
    del adj_values
    edge_index = edge_index.astype(jnp.int32)
    rows = edge_index[0]
    cols = edge_index[1]
    pad = E_PAD - E
    cols_p = jnp.concatenate([cols, jnp.zeros((pad,), jnp.int32)]).reshape(NROW, BLK)
    rows_p = jnp.concatenate([rows, jnp.full((pad,), N + 8, jnp.int32)]).reshape(NROW, BLK)
    zrows = jnp.zeros((NP - N, H), jnp.float32)
    e0 = jnp.concatenate(
        [user_emb[:, :H], item_emb[:, :H], zrows,
         user_emb[:, H:], item_emb[:, H:], zrows], axis=0)
    out, _, _ = _lightgcn_sc(e0, cols_p, rows_p)
    full = jnp.concatenate([out[:N], out[NP:NP + N]], axis=1)
    return (full[:N_USERS], full[N_USERS:])

# --- scband reference (transcript-rebuilt; emitter-appended) ---
"""Pipeline reference for scband-light-gcn-65506841198663 (READ-ONLY COPY).

The authoritative reference and input builder live on the scoring server;
editing this copy changes nothing except your own understanding.
"""

import jax, jax.numpy as jnp
import numpy as np

N_USERS = 50000
N_ITEMS = 50000
DIM = 32
N = N_USERS + N_ITEMS
E = 1600000
N_LAYERS = 3


def _xavier_uniform(key, shape):
    fan_in, fan_out = shape[0], shape[1]
    a = np.sqrt(6.0 / (fan_in + fan_out))
    return jax.random.uniform(key, shape, dtype=jnp.float32, minval=-a, maxval=a)


def setup_inputs(seed: int = 0) -> dict:
    key = jax.random.key(seed)
    k1, k2, k3 = jax.random.split(key, 3)
    edge_index = jax.random.randint(k1, (2, E), 0, N)
    adj_values = jnp.ones((E,), dtype=jnp.float32)
    user_emb = _xavier_uniform(k2, (N_USERS, DIM))
    item_emb = _xavier_uniform(k3, (N_ITEMS, DIM))
    return {
        "edge_index": edge_index,
        "adj_values": adj_values,
        "user_emb": user_emb,
        "item_emb": item_emb,
    }


def reference(edge_index, adj_values, user_emb, item_emb):
    # emb = cat([user_emb, item_emb])
    emb = jnp.concatenate([user_emb, item_emb], axis=0)
    rows = edge_index[0]
    cols = edge_index[1]
    embs = [emb]
    for _ in range(N_LAYERS):
        # sparse.mm(adj, emb): out[r] += val * emb[c] for each edge (r, c)
        msg = adj_values[:, None] * jnp.take(emb, cols, axis=0)
        emb = jax.ops.segment_sum(msg, rows, num_segments=N)
        embs.append(emb)
    out = jnp.mean(jnp.stack(embs, axis=0), axis=0)
    return (out[:N_USERS], out[N_USERS:])

if __name__ == "__main__":
    import jax
    _d = setup_inputs()
    print(jax.jit(kernel)(*tuple(_d.values())))

</pallas_src>

<mosaic_0001>
#map = affine_map<(d0, d1) -> (0, 0)>
module attributes {stable_mosaic.version = 14 : i64} {
  func.func @_lightgcn_sc(%arg0: i32, %arg1: i32, %arg2: memref<204800x16xf32, #tpu.memory_space<hbm>>, %arg3: memref<6272x256xi32, #tpu.memory_space<hbm>>, %arg4: memref<6272x256xi32, #tpu.memory_space<hbm>>, %arg5: memref<204800x16xf32, #tpu.memory_space<hbm>>, %arg6: memref<204800x16xf32, #tpu.memory_space<hbm>>, %arg7: memref<204800x16xf32, #tpu.memory_space<hbm>>, %arg8: memref<102400x16xf32, #tpu.memory_space<vmem_shared>>, %arg9: memref<2x4x256xi32, #tpu.memory_space<vmem>>, %arg10: memref<4x256xi32, #tpu.memory_space<vmem>>, %arg11: memref<2x4x256xi32, #tpu.memory_space<vmem>>, %arg12: memref<2x2x256x16xf32, #tpu.memory_space<vmem>>, %arg13: memref<200x16xf32, #tpu.memory_space<vmem>>, %arg14: memref<200x16xf32, #tpu.memory_space<vmem>>, %arg15: memref<!tpu.dma_semaphore, #tpu.memory_space<semaphore_mem>>, %arg16: memref<!tpu.dma_semaphore, #tpu.memory_space<semaphore_mem>>, %arg17: memref<!tpu.dma_semaphore, #tpu.memory_space<semaphore_mem>>) attributes {dimension_semantics = [#tpu.dimension_semantics<core_parallel>, #tpu.dimension_semantics<subcore_parallel>], iteration_bounds = array<i64: 2, 16>, scalar_prefetch = 0 : i64, scratch_operands = 10 : i64, tpu.core_type = #tpu.core_type<sc_vector_subcore>, window_params = [{transform_indices = #map}, {transform_indices = #map}, {transform_indices = #map}, {transform_indices = #map}, {transform_indices = #map}, {transform_indices = #map}]} {
    %mul3A = arith.constant 102400 : i32
    %mul3A_0 = arith.muli %arg0, %mul3A : i32
    %mul3A_1 = arith.constant 98 : i32
    %mul3A_2 = arith.muli %arg1, %mul3A_1 : i32
    %mul3A_3 = arith.constant 6400 : i32
    %mul3A_4 = arith.muli %arg1, %mul3A_3 : i32
    %scan3A = arith.constant 0 : i32
    %scan3A_5 = arith.constant 0 : i32
    %scan3A_6 = arith.constant 200 : i32
    %scan3A_7 = arith.addi %scan3A_5, %scan3A_6 : i32
    %scan3A_8 = arith.constant 1 : i32
    scf.for %scan3A_51 = %scan3A_5 to %scan3A_7 step %scan3A_8  : i32 {
      %broadcast_in_dim3A = arith.constant 0.000000e+00 : f32
      %broadcast_in_dim3A_52 = vector.broadcast %broadcast_in_dim3A : f32 to vector<16xf32>
      %swap3A = arith.index_cast %scan3A_51 : i32 to index
      %swap3A_53 = arith.constant 0 : index
      %swap3A_54 = tpu.vector_load %arg13[%swap3A, %swap3A_53] {strides = array<i32>} : memref<200x16xf32, #tpu.memory_space<vmem>>, vector<1x16xf32>,
      %swap3A_55 = vector.shape_cast %swap3A_54 : vector<1x16xf32> to vector<16xf32>
      %swap3A_56 = vector.shape_cast %broadcast_in_dim3A_52 : vector<16xf32> to vector<1x16xf32>
      tpu.vector_store %arg13[%swap3A, %swap3A_53], %swap3A_56 {strides = array<i32>} : memref<200x16xf32, #tpu.memory_space<vmem>>, vector<1x16xf32>,
    }
    %scan3A_9 = arith.constant 200 : i32
    %barrier3A = arith.constant 0 : index
    tpu.barrier barrier_id(%barrier3A)
    %mul3A_10 = arith.constant 4 : i32
    %mul3A_11 = arith.muli %mul3A_2, %mul3A_10 : i32
    %scan3A_12 = arith.constant 0 : i32
    %scan3A_13 = arith.constant 0 : i32
    %scan3A_14 = arith.constant 49 : i32
    %scan3A_15 = arith.addi %scan3A_13, %scan3A_14 : i32
    %scan3A_16 = arith.constant 1 : i32
    scf.for %scan3A_51 = %scan3A_13 to %scan3A_15 step %scan3A_16  : i32 {
      %mul3A_52 = arith.constant 2 : i32
      %mul3A_53 = arith.muli %mul3A_52, %scan3A_51 : i32
      %gt3A = arith.constant 0 : i32
      %gt3A_54 = arith.cmpi sgt, %mul3A_53, %gt3A : i32
      %convert_element_type3A = arith.extui %gt3A_54 : i1 to i32
      %cond3A = arith.constant 0 : i32
      %cond3A_55 = arith.cmpi ne, %convert_element_type3A, %cond3A : i32
      scf.if %cond3A_55 {
      } else {
      }
      %lt3A = arith.constant 97 : i32
      %lt3A_56 = arith.cmpi slt, %mul3A_53, %lt3A : i32
      %and3A = arith.constant false
      %and3A_57 = arith.andi %lt3A_56, %and3A : i1
      %convert_element_type3A_58 = arith.extui %and3A_57 : i1 to i32
      %cond3A_59 = arith.constant 0 : i32
      %cond3A_60 = arith.cmpi ne, %convert_element_type3A_58, %cond3A_59 : i32
      scf.if %cond3A_60 {
        %add3A_76 = arith.addi %mul3A_2, %mul3A_53 : i32
        %add3A_77 = arith.constant 1 : i32
        %add3A_78 = arith.addi %add3A_76, %add3A_77 : i32
        %mul3A_79 = arith.constant 4 : i32
        %mul3A_80 = arith.muli %add3A_78, %mul3A_79 : i32
        %dma_start3A = arith.constant 1 : i32
        %dma_start3A_81 = arith.constant 0 : i32
        %dma_start3A_82 = arith.constant 0 : i32
        %dma_start3A_83 = tpu.memref_slice %arg9[%dma_start3A, %dma_start3A_81, %dma_start3A_82] : memref<2x4x256xi32, #tpu.memory_space<vmem>> -> memref<1x4x256xi32, #tpu.memory_space<vmem>>
        %dma_start3A_84 = tpu.memref_squeeze %dma_start3A_83 : memref<1x4x256xi32, #tpu.memory_space<vmem>> -> memref<4x256xi32, #tpu.memory_space<vmem>>
        %dma_start3A_85 = arith.constant 0 : i32
        %dma_start3A_86 = tpu.memref_slice %arg3[%mul3A_80, %dma_start3A_85] : memref<6272x256xi32, #tpu.memory_space<hbm>> -> memref<4x256xi32, #tpu.memory_space<hbm>>
        %dma_start3A_87 = arith.constant 0 : i32
        %dma_start3A_88 = arith.constant 0 : i32
        %dma_start3A_89 = tpu.memref_slice %arg9[%dma_start3A, %dma_start3A_87, %dma_start3A_88] : memref<2x4x256xi32, #tpu.memory_space<vmem>> -> memref<1x4x256xi32, #tpu.memory_space<vmem>>
        %dma_start3A_90 = tpu.memref_squeeze %dma_start3A_89 : memref<1x4x256xi32, #tpu.memory_space<vmem>> -> memref<4x256xi32, #tpu.memory_space<vmem>>
        %dma_start3A_91 = arith.constant 0 : i32
        %dma_start3A_92 = tpu.memref_slice %arg3[%mul3A_80, %dma_start3A_91] : memref<6272x256xi32, #tpu.memory_space<hbm>> -> memref<4x256xi32, #tpu.memory_space<hbm>>
        tpu.enqueue_dma source(%dma_start3A_92 : memref<4x256xi32, #tpu.memory_space<hbm>>) target(%dma_start3A_90 : memref<4x256xi32, #tpu.memory_space<vmem>>) target_semaphore(%arg17 : memref<!tpu.dma_semaphore, #tpu.memory_space<semaphore_mem>>)
        %dma_start3A_93 = arith.constant 1 : i32
        %dma_start3A_94 = arith.constant 0 : i32
        %dma_start3A_95 = arith.constant 0 : i32
        %dma_start3A_96 = tpu.memref_slice %arg11[%dma_start3A_93, %dma_start3A_94, %dma_start3A_95] : memref<2x4x256xi32, #tpu.memory_space<vmem>> -> memref<1x4x256xi32, #tpu.memory_space<vmem>>
        %dma_start3A_97 = tpu.memref_squeeze %dma_start3A_96 : memref<1x4x256xi32, #tpu.memory_space<vmem>> -> memref<4x256xi32, #tpu.memory_space<vmem>>
        %dma_start3A_98 = arith.constant 0 : i32
        %dma_start3A_99 = tpu.memref_slice %arg4[%mul3A_80, %dma_start3A_98] : memref<6272x256xi32, #tpu.memory_space<hbm>> -> memref<4x256xi32, #tpu.memory_space<hbm>>
        %dma_start3A_100 = arith.constant 0 : i32
        %dma_start3A_101 = arith.constant 0 : i32
        %dma_start3A_102 = tpu.memref_slice %arg11[%dma_start3A_93, %dma_start3A_100, %dma_start3A_101] : memref<2x4x256xi32, #tpu.memory_space<vmem>> -> memref<1x4x256xi32, #tpu.memory_space<vmem>>
        %dma_start3A_103 = tpu.memref_squeeze %dma_start3A_102 : memref<1x4x256xi32, #tpu.memory_space<vmem>> -> memref<4x256xi32, #tpu.memory_space<vmem>>
        %dma_start3A_104 = arith.constant 0 : i32
        %dma_start3A_105 = tpu.memref_slice %arg4[%mul3A_80, %dma_start3A_104] : memref<6272x256xi32, #tpu.memory_space<hbm>> -> memref<4x256xi32, #tpu.memory_space<hbm>>
        tpu.enqueue_dma source(%dma_start3A_105 : memref<4x256xi32, #tpu.memory_space<hbm>>) target(%dma_start3A_103 : memref<4x256xi32, #tpu.memory_space<vmem>>) target_semaphore(%arg17 : memref<!tpu.dma_semaphore, #tpu.memory_space<semaphore_mem>>)
      } else {
      }
      %mul3A_61 = arith.constant 2 : i32
      %mul3A_62 = arith.muli %mul3A_61, %scan3A_51 : i32
      %add3A = arith.constant 1 : i32
      %add3A_63 = arith.addi %mul3A_62, %add3A : i32
      %gt3A_64 = arith.constant 0 : i32
      %gt3A_65 = arith.cmpi sgt, %add3A_63, %gt3A_64 : i32
      %convert_element_type3A_66 = arith.extui %gt3A_65 : i1 to i32
      %cond3A_67 = arith.constant 0 : i32
      %cond3A_68 = arith.cmpi ne, %convert_element_type3A_66, %cond3A_67 : i32
      scf.if %cond3A_68 {
      } else {
      }
      %lt3A_69 = arith.constant 97 : i32
      %lt3A_70 = arith.cmpi slt, %add3A_63, %lt3A_69 : i32
      %and3A_71 = arith.constant false
      %and3A_72 = arith.andi %lt3A_70, %and3A_71 : i1
      %convert_element_type3A_73 = arith.extui %and3A_72 : i1 to i32
      %cond3A_74 = arith.constant 0 : i32
      %cond3A_75 = arith.cmpi ne, %convert_element_type3A_73, %cond3A_74 : i32
      scf.if %cond3A_75 {
        %add3A_76 = arith.addi %mul3A_2, %add3A_63 : i32
        %add3A_77 = arith.constant 1 : i32
        %add3A_78 = arith.addi %add3A_76, %add3A_77 : i32
        %mul3A_79 = arith.constant 4 : i32
        %mul3A_80 = arith.muli %add3A_78, %mul3A_79 : i32
        %dma_start3A = arith.constant 0 : i32
        %dma_start3A_81 = arith.constant 0 : i32
        %dma_start3A_82 = arith.constant 0 : i32
        %dma_start3A_83 = tpu.memref_slice %arg9[%dma_start3A, %dma_start3A_81, %dma_start3A_82] : memref<2x4x256xi32, #tpu.memory_space<vmem>> -> memref<1x4x256xi32, #tpu.memory_space<vmem>>
        %dma_start3A_84 = tpu.memref_squeeze %dma_start3A_83 : memref<1x4x256xi32, #tpu.memory_space<vmem>> -> memref<4x256xi32, #tpu.memory_space<vmem>>
        %dma_start3A_85 = arith.constant 0 : i32
        %dma_start3A_86 = tpu.memref_slice %arg3[%mul3A_80, %dma_start3A_85] : memref<6272x256xi32, #tpu.memory_space<hbm>> -> memref<4x256xi32, #tpu.memory_space<hbm>>
        %dma_start3A_87 = arith.constant 0 : i32
        %dma_start3A_88 = arith.constant 0 : i32
        %dma_start3A_89 = tpu.memref_slice %arg9[%dma_start3A, %dma_start3A_87, %dma_start3A_88] : memref<2x4x256xi32, #tpu.memory_space<vmem>> -> memref<1x4x256xi32, #tpu.memory_space<vmem>>
        %dma_start3A_90 = tpu.memref_squeeze %dma_start3A_89 : memref<1x4x256xi32, #tpu.memory_space<vmem>> -> memref<4x256xi32, #tpu.memory_space<vmem>>
        %dma_start3A_91 = arith.constant 0 : i32
        %dma_start3A_92 = tpu.memref_slice %arg3[%mul3A_80, %dma_start3A_91] : memref<6272x256xi32, #tpu.memory_space<hbm>> -> memref<4x256xi32, #tpu.memory_space<hbm>>
        tpu.enqueue_dma source(%dma_start3A_92 : memref<4x256xi32, #tpu.memory_space<hbm>>) target(%dma_start3A_90 : memref<4x256xi32, #tpu.memory_space<vmem>>) target_semaphore(%arg17 : memref<!tpu.dma_semaphore, #tpu.memory_space<semaphore_mem>>)
        %dma_start3A_93 = arith.constant 0 : i32
        %dma_start3A_94 = arith.constant 0 : i32
        %dma_start3A_95 = arith.constant 0 : i32
        %dma_start3A_96 = tpu.memref_slice %arg11[%dma_start3A_93, %dma_start3A_94, %dma_start3A_95] : memref<2x4x256xi32, #tpu.memory_space<vmem>> -> memref<1x4x256xi32, #tpu.memory_space<vmem>>
        %dma_start3A_97 = tpu.memref_squeeze %dma_start3A_96 : memref<1x4x256xi32, #tpu.memory_space<vmem>> -> memref<4x256xi32, #tpu.memory_space<vmem>>
        %dma_start3A_98 = arith.constant 0 : i32
        %dma_start3A_99 = tpu.memref_slice %arg4[%mul3A_80, %dma_start3A_98] : memref<6272x256xi32, #tpu.memory_space<hbm>> -> memref<4x256xi32, #tpu.memory_space<hbm>>
        %dma_start3A_100 = arith.constant 0 : i32
        %dma_start3A_101 = arith.constant 0 : i32
        %dma_start3A_102 = tpu.memref_slice %arg11[%dma_start3A_93, %dma_start3A_100, %dma_start3A_101] : memref<2x4x256xi32, #tpu.memory_space<vmem>> -> memref<1x4x256xi32, #tpu.memory_space<vmem>>
        %dma_start3A_103 = tpu.memref_squeeze %dma_start3A_102 : memref<1x4x256xi32, #tpu.memory_space<vmem>> -> memref<4x256xi32, #tpu.memory_space<vmem>>
        %dma_start3A_104 = arith.constant 0 : i32
        %dma_start3A_105 = tpu.memref_slice %arg4[%mul3A_80, %dma_start3A_104] : memref<6272x256xi32, #tpu.memory_space<hbm>> -> memref<4x256xi32, #tpu.memory_space<hbm>>
        tpu.enqueue_dma source(%dma_start3A_105 : memref<4x256xi32, #tpu.memory_space<hbm>>) target(%dma_start3A_103 : memref<4x256xi32, #tpu.memory_space<vmem>>) target_semaphore(%arg17 : memref<!tpu.dma_semaphore, #tpu.memory_space<semaphore_mem>>)
      } else {
      }
    }
    %scan3A_17 = arith.constant 49 : i32
    %barrier3A_18 = arith.constant 0 : index
    tpu.barrier barrier_id(%barrier3A_18)
    %scan3A_19 = arith.constant 0 : i32
    %scan3A_20 = arith.constant 0 : i32
    %scan3A_21 = arith.constant 200 : i32
    %scan3A_22 = arith.addi %scan3A_20, %scan3A_21 : i32
    %scan3A_23 = arith.constant 1 : i32
    scf.for %scan3A_51 = %scan3A_20 to %scan3A_22 step %scan3A_23  : i32 {
      %broadcast_in_dim3A = arith.constant 0.000000e+00 : f32
      %broadcast_in_dim3A_52 = vector.broadcast %broadcast_in_dim3A : f32 to vector<16xf32>
      %swap3A = arith.index_cast %scan3A_51 : i32 to index
      %swap3A_53 = arith.constant 0 : index
      %swap3A_54 = tpu.vector_load %arg13[%swap3A, %swap3A_53] {strides = array<i32>} : memref<200x16xf32, #tpu.memory_space<vmem>>, vector<1x16xf32>,
      %swap3A_55 = vector.shape_cast %swap3A_54 : vector<1x16xf32> to vector<16xf32>
      %swap3A_56 = vector.shape_cast %broadcast_in_dim3A_52 : vector<16xf32> to vector<1x16xf32>
      tpu.vector_store %arg13[%swap3A, %swap3A_53], %swap3A_56 {strides = array<i32>} : memref<200x16xf32, #tpu.memory_space<vmem>>, vector<1x16xf32>,
    }
    %scan3A_24 = arith.constant 200 : i32
    %barrier3A_25 = arith.constant 0 : index
    tpu.barrier barrier_id(%barrier3A_25)
    %mul3A_26 = arith.constant 4 : i32
    %mul3A_27 = arith.muli %mul3A_2, %mul3A_26 : i32
    %scan3A_28 = arith.constant 0 : i32
    %scan3A_29 = arith.constant 0 : i32
    %scan3A_30 = arith.constant 49 : i32
    %scan3A_31 = arith.addi %scan3A_29, %scan3A_30 : i32
    %scan3A_32 = arith.constant 1 : i32
    scf.for %scan3A_51 = %scan3A_29 to %scan3A_31 step %scan3A_32  : i32 {
      %mul3A_52 = arith.constant 2 : i32
      %mul3A_53 = arith.muli %mul3A_52, %scan3A_51 : i32
      %gt3A = arith.constant 0 : i32
      %gt3A_54 = arith.cmpi sgt, %mul3A_53, %gt3A : i32
      %convert_element_type3A = arith.extui %gt3A_54 : i1 to i32
      %cond3A = arith.constant 0 : i32
      %cond3A_55 = arith.cmpi ne, %convert_element_type3A, %cond3A : i32
      scf.if %cond3A_55 {
      } else {
      }
      %lt3A = arith.constant 97 : i32
      %lt3A_56 = arith.cmpi slt, %mul3A_53, %lt3A : i32
      %and3A = arith.constant false
      %and3A_57 = arith.andi %lt3A_56, %and3A : i1
      %convert_element_type3A_58 = arith.extui %and3A_57 : i1 to i32
      %cond3A_59 = arith.constant 0 : i32
      %cond3A_60 = arith.cmpi ne, %convert_element_type3A_58, %cond3A_59 : i32
      scf.if %cond3A_60 {
        %add3A_76 = arith.addi %mul3A_2, %mul3A_53 : i32
        %add3A_77 = arith.constant 1 : i32
        %add3A_78 = arith.addi %add3A_76, %add3A_77 : i32
        %mul3A_79 = arith.constant 4 : i32
        %mul3A_80 = arith.muli %add3A_78, %mul3A_79 : i32
        %dma_start3A = arith.constant 1 : i32
        %dma_start3A_81 = arith.constant 0 : i32
        %dma_start3A_82 = arith.constant 0 : i32
        %dma_start3A_83 = tpu.memref_slice %arg9[%dma_start3A, %dma_start3A_81, %dma_start3A_82] : memref<2x4x256xi32, #tpu.memory_space<vmem>> -> memref<1x4x256xi32, #tpu.memory_space<vmem>>
        %dma_start3A_84 = tpu.memref_squeeze %dma_start3A_83 : memref<1x4x256xi32, #tpu.memory_space<vmem>> -> memref<4x256xi32, #tpu.memory_space<vmem>>
        %dma_start3A_85 = arith.constant 0 : i32
        %dma_start3A_86 = tpu.memref_slice %arg3[%mul3A_80, %dma_start3A_85] : memref<6272x256xi32, #tpu.memory_space<hbm>> -> memref<4x256xi32, #tpu.memory_space<hbm>>
        %dma_start3A_87 = arith.constant 0 : i32
        %dma_start3A_88 = arith.constant 0 : i32
        %dma_start3A_89 = tpu.memref_slice %arg9[%dma_start3A, %dma_start3A_87, %dma_start3A_88] : memref<2x4x256xi32, #tpu.memory_space<vmem>> -> memref<1x4x256xi32, #tpu.memory_space<vmem>>
        %dma_start3A_90 = tpu.memref_squeeze %dma_start3A_89 : memref<1x4x256xi32, #tpu.memory_space<vmem>> -> memref<4x256xi32, #tpu.memory_space<vmem>>
        %dma_start3A_91 = arith.constant 0 : i32
        %dma_start3A_92 = tpu.memref_slice %arg3[%mul3A_80, %dma_start3A_91] : memref<6272x256xi32, #tpu.memory_space<hbm>> -> memref<4x256xi32, #tpu.memory_space<hbm>>
        tpu.enqueue_dma source(%dma_start3A_92 : memref<4x256xi32, #tpu.memory_space<hbm>>) target(%dma_start3A_90 : memref<4x256xi32, #tpu.memory_space<vmem>>) target_semaphore(%arg17 : memref<!tpu.dma_semaphore, #tpu.memory_space<semaphore_mem>>)
        %dma_start3A_93 = arith.constant 1 : i32
        %dma_start3A_94 = arith.constant 0 : i32
        %dma_start3A_95 = arith.constant 0 : i32
        %dma_start3A_96 = tpu.memref_slice %arg11[%dma_start3A_93, %dma_start3A_94, %dma_start3A_95] : memref<2x4x256xi32, #tpu.memory_space<vmem>> -> memref<1x4x256xi32, #tpu.memory_space<vmem>>
        %dma_start3A_97 = tpu.memref_squeeze %dma_start3A_96 : memref<1x4x256xi32, #tpu.memory_space<vmem>> -> memref<4x256xi32, #tpu.memory_space<vmem>>
        %dma_start3A_98 = arith.constant 0 : i32
        %dma_start3A_99 = tpu.memref_slice %arg4[%mul3A_80, %dma_start3A_98] : memref<6272x256xi32, #tpu.memory_space<hbm>> -> memref<4x256xi32, #tpu.memory_space<hbm>>
        %dma_start3A_100 = arith.constant 0 : i32
        %dma_start3A_101 = arith.constant 0 : i32
        %dma_start3A_102 = tpu.memref_slice %arg11[%dma_start3A_93, %dma_start3A_100, %dma_start3A_101] : memref<2x4x256xi32, #tpu.memory_space<vmem>> -> memref<1x4x256xi32, #tpu.memory_space<vmem>>
        %dma_start3A_103 = tpu.memref_squeeze %dma_start3A_102 : memref<1x4x256xi32, #tpu.memory_space<vmem>> -> memref<4x256xi32, #tpu.memory_space<vmem>>
        %dma_start3A_104 = arith.constant 0 : i32
        %dma_start3A_105 = tpu.memref_slice %arg4[%mul3A_80, %dma_start3A_104] : memref<6272x256xi32, #tpu.memory_space<hbm>> -> memref<4x256xi32, #tpu.memory_space<hbm>>
        tpu.enqueue_dma source(%dma_start3A_105 : memref<4x256xi32, #tpu.memory_space<hbm>>) target(%dma_start3A_103 : memref<4x256xi32, #tpu.memory_space<vmem>>) target_semaphore(%arg17 : memref<!tpu.dma_semaphore, #tpu.memory_space<semaphore_mem>>)
      } else {
      }
      %mul3A_61 = arith.constant 2 : i32
      %mul3A_62 = arith.muli %mul3A_61, %scan3A_51 : i32
      %add3A = arith.constant 1 : i32
      %add3A_63 = arith.addi %mul3A_62, %add3A : i32
      %gt3A_64 = arith.constant 0 : i32
      %gt3A_65 = arith.cmpi sgt, %add3A_63, %gt3A_64 : i32
      %convert_element_type3A_66 = arith.extui %gt3A_65 : i1 to i32
      %cond3A_67 = arith.constant 0 : i32
      %cond3A_68 = arith.cmpi ne, %convert_element_type3A_66, %cond3A_67 : i32
      scf.if %cond3A_68 {
      } else {
      }
      %lt3A_69 = arith.constant 97 : i32
      %lt3A_70 = arith.cmpi slt, %add3A_63, %lt3A_69 : i32
      %and3A_71 = arith.constant false
      %and3A_72 = arith.andi %lt3A_70, %and3A_71 : i1
      %convert_element_type3A_73 = arith.extui %and3A_72 : i1 to i32
      %cond3A_74 = arith.constant 0 : i32
      %cond3A_75 = arith.cmpi ne, %convert_element_type3A_73, %cond3A_74 : i32
      scf.if %cond3A_75 {
        %add3A_76 = arith.addi %mul3A_2, %add3A_63 : i32
        %add3A_77 = arith.constant 1 : i32
        %add3A_78 = arith.addi %add3A_76, %add3A_77 : i32
        %mul3A_79 = arith.constant 4 : i32
        %mul3A_80 = arith.muli %add3A_78, %mul3A_79 : i32
        %dma_start3A = arith.constant 0 : i32
        %dma_start3A_81 = arith.constant 0 : i32
        %dma_start3A_82 = arith.constant 0 : i32
        %dma_start3A_83 = tpu.memref_slice %arg9[%dma_start3A, %dma_start3A_81, %dma_start3A_82] : memref<2x4x256xi32, #tpu.memory_space<vmem>> -> memref<1x4x256xi32, #tpu.memory_space<vmem>>
        %dma_start3A_84 = tpu.memref_squeeze %dma_start3A_83 : memref<1x4x256xi32, #tpu.memory_space<vmem>> -> memref<4x256xi32, #tpu.memory_space<vmem>>
        %dma_start3A_85 = arith.constant 0 : i32
        %dma_start3A_86 = tpu.memref_slice %arg3[%mul3A_80, %dma_start3A_85] : memref<6272x256xi32, #tpu.memory_space<hbm>> -> memref<4x256xi32, #tpu.memory_space<hbm>>
        %dma_start3A_87 = arith.constant 0 : i32
        %dma_start3A_88 = arith.constant 0 : i32
        %dma_start3A_89 = tpu.memref_slice %arg9[%dma_start3A, %dma_start3A_87, %dma_start3A_88] : memref<2x4x256xi32, #tpu.memory_space<vmem>> -> memref<1x4x256xi32, #tpu.memory_space<vmem>>
        %dma_start3A_90 = tpu.memref_squeeze %dma_start3A_89 : memref<1x4x256xi32, #tpu.memory_space<vmem>> -> memref<4x256xi32, #tpu.memory_space<vmem>>
        %dma_start3A_91 = arith.constant 0 : i32
        %dma_start3A_92 = tpu.memref_slice %arg3[%mul3A_80, %dma_start3A_91] : memref<6272x256xi32, #tpu.memory_space<hbm>> -> memref<4x256xi32, #tpu.memory_space<hbm>>
        tpu.enqueue_dma source(%dma_start3A_92 : memref<4x256xi32, #tpu.memory_space<hbm>>) target(%dma_start3A_90 : memref<4x256xi32, #tpu.memory_space<vmem>>) target_semaphore(%arg17 : memref<!tpu.dma_semaphore, #tpu.memory_space<semaphore_mem>>)
        %dma_start3A_93 = arith.constant 0 : i32
        %dma_start3A_94 = arith.constant 0 : i32
        %dma_start3A_95 = arith.constant 0 : i32
        %dma_start3A_96 = tpu.memref_slice %arg11[%dma_start3A_93, %dma_start3A_94, %dma_start3A_95] : memref<2x4x256xi32, #tpu.memory_space<vmem>> -> memref<1x4x256xi32, #tpu.memory_space<vmem>>
        %dma_start3A_97 = tpu.memref_squeeze %dma_start3A_96 : memref<1x4x256xi32, #tpu.memory_space<vmem>> -> memref<4x256xi32, #tpu.memory_space<vmem>>
        %dma_start3A_98 = arith.constant 0 : i32
        %dma_start3A_99 = tpu.memref_slice %arg4[%mul3A_80, %dma_start3A_98] : memref<6272x256xi32, #tpu.memory_space<hbm>> -> memref<4x256xi32, #tpu.memory_space<hbm>>
        %dma_start3A_100 = arith.constant 0 : i32
        %dma_start3A_101 = arith.constant 0 : i32
        %dma_start3A_102 = tpu.memref_slice %arg11[%dma_start3A_93, %dma_start3A_100, %dma_start3A_101] : memref<2x4x256xi32, #tpu.memory_space<vmem>> -> memref<1x4x256xi32, #tpu.memory_space<vmem>>
        %dma_start3A_103 = tpu.memref_squeeze %dma_start3A_102 : memref<1x4x256xi32, #tpu.memory_space<vmem>> -> memref<4x256xi32, #tpu.memory_space<vmem>>
        %dma_start3A_104 = arith.constant 0 : i32
        %dma_start3A_105 = tpu.memref_slice %arg4[%mul3A_80, %dma_start3A_104] : memref<6272x256xi32, #tpu.memory_space<hbm>> -> memref<4x256xi32, #tpu.memory_space<hbm>>
        tpu.enqueue_dma source(%dma_start3A_105 : memref<4x256xi32, #tpu.memory_space<hbm>>) target(%dma_start3A_103 : memref<4x256xi32, #tpu.memory_space<vmem>>) target_semaphore(%arg17 : memref<!tpu.dma_semaphore, #tpu.memory_space<semaphore_mem>>)
      } else {
      }
    }
    %scan3A_33 = arith.constant 49 : i32
    %barrier3A_34 = arith.constant 0 : index
    tpu.barrier barrier_id(%barrier3A_34)
    %scan3A_35 = arith.constant 0 : i32
    %scan3A_36 = arith.constant 0 : i32
    %scan3A_37 = arith.constant 200 : i32
    %scan3A_38 = arith.addi %scan3A_36, %scan3A_37 : i32
    %scan3A_39 = arith.constant 1 : i32
    scf.for %scan3A_51 = %scan3A_36 to %scan3A_38 step %scan3A_39  : i32 {
      %broadcast_in_dim3A = arith.constant 0.000000e+00 : f32
      %broadcast_in_dim3A_52 = vector.broadcast %broadcast_in_dim3A : f32 to vector<16xf32>
      %swap3A = arith.index_cast %scan3A_51 : i32 to index
      %swap3A_53 = arith.constant 0 : index
      %swap3A_54 = tpu.vector_load %arg13[%swap3A, %swap3A_53] {strides = array<i32>} : memref<200x16xf32, #tpu.memory_space<vmem>>, vector<1x16xf32>,
      %swap3A_55 = vector.shape_cast %swap3A_54 : vector<1x16xf32> to vector<16xf32>
      %swap3A_56 = vector.shape_cast %broadcast_in_dim3A_52 : vector<16xf32> to vector<1x16xf32>
      tpu.vector_store %arg13[%swap3A, %swap3A_53], %swap3A_56 {strides = array<i32>} : memref<200x16xf32, #tpu.memory_space<vmem>>, vector<1x16xf32>,
    }
    %scan3A_40 = arith.constant 200 : i32
    %barrier3A_41 = arith.constant 0 : index
    tpu.barrier barrier_id(%barrier3A_41)
    %mul3A_42 = arith.constant 4 : i32
    %mul3A_43 = arith.muli %mul3A_2, %mul3A_42 : i32
    %scan3A_44 = arith.constant 0 : i32
    %scan3A_45 = arith.constant 0 : i32
    %scan3A_46 = arith.constant 49 : i32
    %scan3A_47 = arith.addi %scan3A_45, %scan3A_46 : i32
    %scan3A_48 = arith.constant 1 : i32
    scf.for %scan3A_51 = %scan3A_45 to %scan3A_47 step %scan3A_48  : i32 {
      %mul3A_52 = arith.constant 2 : i32
      %mul3A_53 = arith.muli %mul3A_52, %scan3A_51 : i32
      %gt3A = arith.constant 0 : i32
      %gt3A_54 = arith.cmpi sgt, %mul3A_53, %gt3A : i32
      %convert_element_type3A = arith.extui %gt3A_54 : i1 to i32
      %cond3A = arith.constant 0 : i32
      %cond3A_55 = arith.cmpi ne, %convert_element_type3A, %cond3A : i32
      scf.if %cond3A_55 {
      } else {
      }
      %lt3A = arith.constant 97 : i32
      %lt3A_56 = arith.cmpi slt, %mul3A_53, %lt3A : i32
      %and3A = arith.constant false
      %and3A_57 = arith.andi %lt3A_56, %and3A : i1
      %convert_element_type3A_58 = arith.extui %and3A_57 : i1 to i32
      %cond3A_59 = arith.constant 0 : i32
      %cond3A_60 = arith.cmpi ne, %convert_element_type3A_58, %cond3A_59 : i32
      scf.if %cond3A_60 {
        %add3A_76 = arith.addi %mul3A_2, %mul3A_53 : i32
        %add3A_77 = arith.constant 1 : i32
        %add3A_78 = arith.addi %add3A_76, %add3A_77 : i32
        %mul3A_79 = arith.constant 4 : i32
        %mul3A_80 = arith.muli %add3A_78, %mul3A_79 : i32
        %dma_start3A = arith.constant 1 : i32
        %dma_start3A_81 = arith.constant 0 : i32
        %dma_start3A_82 = arith.constant 0 : i32
        %dma_start3A_83 = tpu.memref_slice %arg9[%dma_start3A, %dma_start3A_81, %dma_start3A_82] : memref<2x4x256xi32, #tpu.memory_space<vmem>> -> memref<1x4x256xi32, #tpu.memory_space<vmem>>
        %dma_start3A_84 = tpu.memref_squeeze %dma_start3A_83 : memref<1x4x256xi32, #tpu.memory_space<vmem>> -> memref<4x256xi32, #tpu.memory_space<vmem>>
        %dma_start3A_85 = arith.constant 0 : i32
        %dma_start3A_86 = tpu.memref_slice %arg3[%mul3A_80, %dma_start3A_85] : memref<6272x256xi32, #tpu.memory_space<hbm>> -> memref<4x256xi32, #tpu.memory_space<hbm>>
        %dma_start3A_87 = arith.constant 0 : i32
        %dma_start3A_88 = arith.constant 0 : i32
        %dma_start3A_89 = tpu.memref_slice %arg9[%dma_start3A, %dma_start3A_87, %dma_start3A_88] : memref<2x4x256xi32, #tpu.memory_space<vmem>> -> memref<1x4x256xi32, #tpu.memory_space<vmem>>
        %dma_start3A_90 = tpu.memref_squeeze %dma_start3A_89 : memref<1x4x256xi32, #tpu.memory_space<vmem>> -> memref<4x256xi32, #tpu.memory_space<vmem>>
        %dma_start3A_91 = arith.constant 0 : i32
        %dma_start3A_92 = tpu.memref_slice %arg3[%mul3A_80, %dma_start3A_91] : memref<6272x256xi32, #tpu.memory_space<hbm>> -> memref<4x256xi32, #tpu.memory_space<hbm>>
        tpu.enqueue_dma source(%dma_start3A_92 : memref<4x256xi32, #tpu.memory_space<hbm>>) target(%dma_start3A_90 : memref<4x256xi32, #tpu.memory_space<vmem>>) target_semaphore(%arg17 : memref<!tpu.dma_semaphore, #tpu.memory_space<semaphore_mem>>)
        %dma_start3A_93 = arith.constant 1 : i32
        %dma_start3A_94 = arith.constant 0 : i32
        %dma_start3A_95 = arith.constant 0 : i32
        %dma_start3A_96 = tpu.memref_slice %arg11[%dma_start3A_93, %dma_start3A_94, %dma_start3A_95] : memref<2x4x256xi32, #tpu.memory_space<vmem>> -> memref<1x4x256xi32, #tpu.memory_space<vmem>>
        %dma_start3A_97 = tpu.memref_squeeze %dma_start3A_96 : memref<1x4x256xi32, #tpu.memory_space<vmem>> -> memref<4x256xi32, #tpu.memory_space<vmem>>
        %dma_start3A_98 = arith.constant 0 : i32
        %dma_start3A_99 = tpu.memref_slice %arg4[%mul3A_80, %dma_start3A_98] : memref<6272x256xi32, #tpu.memory_space<hbm>> -> memref<4x256xi32, #tpu.memory_space<hbm>>
        %dma_start3A_100 = arith.constant 0 : i32
        %dma_start3A_101 = arith.constant 0 : i32
        %dma_start3A_102 = tpu.memref_slice %arg11[%dma_start3A_93, %dma_start3A_100, %dma_start3A_101] : memref<2x4x256xi32, #tpu.memory_space<vmem>> -> memref<1x4x256xi32, #tpu.memory_space<vmem>>
        %dma_start3A_103 = tpu.memref_squeeze %dma_start3A_102 : memref<1x4x256xi32, #tpu.memory_space<vmem>> -> memref<4x256xi32, #tpu.memory_space<vmem>>
        %dma_start3A_104 = arith.constant 0 : i32
        %dma_start3A_105 = tpu.memref_slice %arg4[%mul3A_80, %dma_start3A_104] : memref<6272x256xi32, #tpu.memory_space<hbm>> -> memref<4x256xi32, #tpu.memory_space<hbm>>
        tpu.enqueue_dma source(%dma_start3A_105 : memref<4x256xi32, #tpu.memory_space<hbm>>) target(%dma_start3A_103 : memref<4x256xi32, #tpu.memory_space<vmem>>) target_semaphore(%arg17 : memref<!tpu.dma_semaphore, #tpu.memory_space<semaphore_mem>>)
      } else {
      }
      %mul3A_61 = arith.constant 2 : i32
      %mul3A_62 = arith.muli %mul3A_61, %scan3A_51 : i32
      %add3A = arith.constant 1 : i32
      %add3A_63 = arith.addi %mul3A_62, %add3A : i32
      %gt3A_64 = arith.constant 0 : i32
      %gt3A_65 = arith.cmpi sgt, %add3A_63, %gt3A_64 : i32
      %convert_element_type3A_66 = arith.extui %gt3A_65 : i1 to i32
      %cond3A_67 = arith.constant 0 : i32
      %cond3A_68 = arith.cmpi ne, %convert_element_type3A_66, %cond3A_67 : i32
      scf.if %cond3A_68 {
      } else {
      }
      %lt3A_69 = arith.constant 97 : i32
      %lt3A_70 = arith.cmpi slt, %add3A_63, %lt3A_69 : i32
      %and3A_71 = arith.constant false
      %and3A_72 = arith.andi %lt3A_70, %and3A_71 : i1
      %convert_element_type3A_73 = arith.extui %and3A_72 : i1 to i32
      %cond3A_74 = arith.constant 0 : i32
      %cond3A_75 = arith.cmpi ne, %convert_element_type3A_73, %cond3A_74 : i32
      scf.if %cond3A_75 {
        %add3A_76 = arith.addi %mul3A_2, %add3A_63 : i32
        %add3A_77 = arith.constant 1 : i32
        %add3A_78 = arith.addi %add3A_76, %add3A_77 : i32
        %mul3A_79 = arith.constant 4 : i32
        %mul3A_80 = arith.muli %add3A_78, %mul3A_79 : i32
        %dma_start3A = arith.constant 0 : i32
        %dma_start3A_81 = arith.constant 0 : i32
        %dma_start3A_82 = arith.constant 0 : i32
        %dma_start3A_83 = tpu.memref_slice %arg9[%dma_start3A, %dma_start3A_81, %dma_start3A_82] : memref<2x4x256xi32, #tpu.memory_space<vmem>> -> memref<1x4x256xi32, #tpu.memory_space<vmem>>
        %dma_start3A_84 = tpu.memref_squeeze %dma_start3A_83 : memref<1x4x256xi32, #tpu.memory_space<vmem>> -> memref<4x256xi32, #tpu.memory_space<vmem>>
        %dma_start3A_85 = arith.constant 0 : i32
        %dma_start3A_86 = tpu.memref_slice %arg3[%mul3A_80, %dma_start3A_85] : memref<6272x256xi32, #tpu.memory_space<hbm>> -> memref<4x256xi32, #tpu.memory_space<hbm>>
        %dma_start3A_87 = arith.constant 0 : i32
        %dma_start3A_88 = arith.constant 0 : i32
        %dma_start3A_89 = tpu.memref_slice %arg9[%dma_start3A, %dma_start3A_87, %dma_start3A_88] : memref<2x4x256xi32, #tpu.memory_space<vmem>> -> memref<1x4x256xi32, #tpu.memory_space<vmem>>
        %dma_start3A_90 = tpu.memref_squeeze %dma_start3A_89 : memref<1x4x256xi32, #tpu.memory_space<vmem>> -> memref<4x256xi32, #tpu.memory_space<vmem>>
        %dma_start3A_91 = arith.constant 0 : i32
        %dma_start3A_92 = tpu.memref_slice %arg3[%mul3A_80, %dma_start3A_91] : memref<6272x256xi32, #tpu.memory_space<hbm>> -> memref<4x256xi32, #tpu.memory_space<hbm>>
        tpu.enqueue_dma source(%dma_start3A_92 : memref<4x256xi32, #tpu.memory_space<hbm>>) target(%dma_start3A_90 : memref<4x256xi32, #tpu.memory_space<vmem>>) target_semaphore(%arg17 : memref<!tpu.dma_semaphore, #tpu.memory_space<semaphore_mem>>)
        %dma_start3A_93 = arith.constant 0 : i32
        %dma_start3A_94 = arith.constant 0 : i32
        %dma_start3A_95 = arith.constant 0 : i32
        %dma_start3A_96 = tpu.memref_slice %arg11[%dma_start3A_93, %dma_start3A_94, %dma_start3A_95] : memref<2x4x256xi32, #tpu.memory_space<vmem>> -> memref<1x4x256xi32, #tpu.memory_space<vmem>>
        %dma_start3A_97 = tpu.memref_squeeze %dma_start3A_96 : memref<1x4x256xi32, #tpu.memory_space<vmem>> -> memref<4x256xi32, #tpu.memory_space<vmem>>
        %dma_start3A_98 = arith.constant 0 : i32
        %dma_start3A_99 = tpu.memref_slice %arg4[%mul3A_80, %dma_start3A_98] : memref<6272x256xi32, #tpu.memory_space<hbm>> -> memref<4x256xi32, #tpu.memory_space<hbm>>
        %dma_start3A_100 = arith.constant 0 : i32
        %dma_start3A_101 = arith.constant 0 : i32
        %dma_start3A_102 = tpu.memref_slice %arg11[%dma_start3A_93, %dma_start3A_100, %dma_start3A_101] : memref<2x4x256xi32, #tpu.memory_space<vmem>> -> memref<1x4x256xi32, #tpu.memory_space<vmem>>
        %dma_start3A_103 = tpu.memref_squeeze %dma_start3A_102 : memref<1x4x256xi32, #tpu.memory_space<vmem>> -> memref<4x256xi32, #tpu.memory_space<vmem>>
        %dma_start3A_104 = arith.constant 0 : i32
        %dma_start3A_105 = tpu.memref_slice %arg4[%mul3A_80, %dma_start3A_104] : memref<6272x256xi32, #tpu.memory_space<hbm>> -> memref<4x256xi32, #tpu.memory_space<hbm>>
        tpu.enqueue_dma source(%dma_start3A_105 : memref<4x256xi32, #tpu.memory_space<hbm>>) target(%dma_start3A_103 : memref<4x256xi32, #tpu.memory_space<vmem>>) target_semaphore(%arg17 : memref<!tpu.dma_semaphore, #tpu.memory_space<semaphore_mem>>)
      } else {
      }
    }
    %scan3A_49 = arith.constant 49 : i32
    %barrier3A_50 = arith.constant 0 : index
    tpu.barrier barrier_id(%barrier3A_50)
    return
  }
}

</mosaic_0001>

<sc_bundles>
// kernel: kernel.3.cloned.1.call-start
scs
__scs_entry_jumppad:
0x0: {  	(pc) =	sbr.rel $0x88, $3  }
0x1: {  	(tag) =	ssettag $0x0;
	lr =	simm.s32 $0x1  }
0x2: {  	[smem:$0x3F9E] =	sst lr;
	_ =	strace $0xD0000000  }
0x3: {  	_ = 	snop  }
0x4: {  	_ = 	snop  }
0x5: {  	_ = 	snop  }
0x6: {  	_ = 	snop  }
0x7: {  	_ = 	snop  }
__scs_overlays_trampoline_lowered:
0x8: {  	[smem:$0x3FAD] =	sst s0  }
0x9: {  	[smem:$0x3FAE] =	sst s1  }
0xa: {  	[smem:$0x3FAF] =	sst s2  }
0xb: {  	[smem:$0x3FB0] =	sst s3  }
0xc: {  	[smem:$0x3FB1] =	sst s4  }
0xd: {  	[smem:$0x3FB2] =	sst s5  }
0xe: {  	[smem:$0x3FB3] =	sst s6  }
0xf: {  	[smem:$0x3FB4] =	sst s7  }
0x10: {  	[smem:$0x3FB5] =	sst s8  }
0x11: {  	[smem:$0x3FB6] =	sst s9;
	s0 =	simm.s32 @!p0 $0x0  }
0x12: {  	s1 =	sld [smem:$0x3F9C];
	s0 =	simm.s32 @p0 $0x1  }
0x13: {  	[smem:$0x3FB7] =	sst s0;
	s0 =	simm.s32 @!p1 $0x0  }
0x14: {  	s2 =	sld [smem:$0x3F9B];
	s0 =	simm.s32 @p1 $0x1  }
0x15: {  	[smem:$0x3FB8] =	sst s0;
	s0 =	simm.s32 @!p2 $0x0  }
0x16: {  	s3 =	sld [smem:$0x3FDB];
	s0 =	simm.s32 @p2 $0x1  }
0x17: {  	s4 =	simm.s32 $0x1BF5;
	[smem:$0x3FBA] =	sst s0  }
0x18: {  	s0 =	sld [smem:$0x3F9D];
	_ =	swait.ge [sflag:s4], $0x0  }
0x19: {  	s7 =	sld [smem:$0x3F9E]  }
0x1a: {  	s8 =	sadd.s32 $0xFFFFE003, lr  }
0x1b: {  	s9 =	sadd.s32 $0xFFFFFEF7, lr;
	s5 =	simm.s32 $0xFFFFFFFF;
	p2 =	slt.u32 s8, $0xFFFFF086  }
0x1c: {  	p1 =	slt.u32 s9, $0xF7A;
	s5 =	simm.s32 @!p2 $0x0  }
0x1d: {  	s5 =	simm.s32 @p1 $0x1;
	p0 =	seq.s32 s7, s2  }
0x1e: {  	s7 =	smul.u32 @!p0 $0xF7A, s2;
	p2 =	seq.s32 @!p0 s5, $0x0  }
0x1f: {  	s9 =	smul.u32 $0xF7A, s1;
	s8 =	simm.s32 @!p0 $0x1BF5;
	p2 =	por !p2, p0  }
0x20: {  	[sflag:s8] =	ssyncset.s32 @!p0 $0xFFFFF086;
	s6 =	sadd.s32 @!p0 s3, s7;
	s7 =	simm.s32 @!p0 $0x108  }
0x21: {  	s3 =	sadd.s32 s3, s9;
	s6 =	sadd.s32 @!p0 $0x88, s6;
	s7 =	simm.s32 @p2 $0x1082  }
0x22: {  	[simem:s7], [sflag:s8] =	dma.local @!p0 [hbm:s6], $0xF7A  }
0x23: {  	s9 =	sor.u32 $0xD0000000, s2;
	s6 =	simm.s32 $0x108;
	_ =	swait.ge @!p0 [sflag:s8], $0x0  }
0x24: {  	s3 =	sadd.s32 $0x88, s3;
	s6 =	simm.s32 @!p1 $0x1082;
	[sflag:s4] =	ssyncset.s32 $0xFFFFF086  }
0x25: {  	[simem:s6], [sflag:s4] =	dma.local [hbm:s3], $0xF7A  }
0x26: {  	[smem:$0x3F9E] =	sst s1;
	(tag) =	ssettag s2;
	_ =	strace s9  }
0x27: {  	s1 =	sld [smem:$0x3FAE]  }
0x28: {  	s2 =	sld [smem:$0x3FAF]  }
0x29: {  	s4 =	sld [smem:$0x3FB1]  }
0x2a: {  	p0 =	seq.s32 s5, $0x0;
	s5 =	sld [smem:$0x3FB2]  }
0x2b: {  	s6 =	sld [smem:$0x3FB3]  }
0x2c: {  	s7 =	sld [smem:$0x3FB4]  }
0x2d: {  	s3 =	simm.s32 $0x108;
	s8 =	sld [smem:$0x3FB5]  }
0x2e: {  	s3 =	simm.s32 @!p0 $0x1082;
	s9 =	sld [smem:$0x3FB6]  }
0x2f: {  	lr =	sadd.s32 s0, s3;
	s0 =	sld [smem:$0x3FAD]  }
0x30: {  	s3 =	sld [smem:$0x3FB0]  }
0x31: {  	[smem:$0x3FB9] =	sst s10  }
0x32: {  	s10 =	sld [smem:$0x3FB7];
	_ =	sdelay $0x3  }
0x33: {  	p0 =	seq.s32 s10, $0x1;
	s10 =	sld [smem:$0x3FB9];
	_ =	sdelay $0x3  }
0x34: {  	[smem:$0x3FB9] =	sst s10  }
0x35: {  	s10 =	sld [smem:$0x3FB8];
	_ =	sdelay $0x3  }
0x36: {  	p1 =	seq.s32 s10, $0x1;
	s10 =	sld [smem:$0x3FB9];
	_ =	sdelay $0x3  }
0x37: {  	[smem:$0x3FB9] =	sst s10  }
0x38: {  	s10 =	sld [smem:$0x3FBA]  }
0x39: {  	_ = 	snop;
	(pc) =	sbr.ind lr, $3  }
0x3a: {  	_ = 	snop  }
0x3b: {  	_ = 	snop  }
0x3c: {  	p2 =	seq.s32 s10, $0x1;
	s10 =	sld [smem:$0x3FB9]  }
0x3d: {  	_ =	shalt  }
0x3e: {  	_ =	shalt  }
0x3f: {  	_ =	shalt  }
0x40: {  	_ =	shalt  }
0x41: {  	_ =	shalt  }
0x42: {  	_ =	shalt  }
0x43: {  	_ =	shalt  }
0x44: {  	_ =	shalt  }
0x45: {  	_ =	shalt  }
0x46: {  	_ =	shalt  }
0x47: {  	_ =	shalt  }
0x48: {  	_ =	shalt  }
0x49: {  	_ =	shalt  }
0x4a: {  	_ =	shalt  }
0x4b: {  	_ =	shalt  }
0x4c: {  	_ =	shalt  }
0x4d: {  	_ =	shalt  }
0x4e: {  	_ =	shalt  }
0x4f: {  	_ =	shalt  }
0x50: {  	_ =	shalt  }
0x51: {  	_ =	shalt  }
0x52: {  	_ =	shalt  }
0x53: {  	_ =	shalt  }
0x54: {  	_ =	shalt  }
0x55: {  	_ =	shalt  }
0x56: {  	_ =	shalt  }
0x57: {  	_ =	shalt  }
0x58: {  	_ =	shalt  }
0x59: {  	_ =	shalt  }
0x5a: {  	_ =	shalt  }
0x5b: {  	_ =	shalt  }
0x5c: {  	_ =	shalt  }
0x5d: {  	_ =	shalt  }
0x5e: {  	_ =	shalt  }
0x5f: {  	_ =	shalt  }
0x60: {  	_ =	shalt  }
0x61: {  	_ =	shalt  }
0x62: {  	_ =	shalt  }
0x63: {  	_ =	shalt  }
0x64: {  	_ =	shalt  }
0x65: {  	_ =	shalt  }
0x66: {  	_ =	shalt  }
0x67: {  	_ =	shalt  }
0x68: {  	_ =	shalt  }
0x69: {  	_ =	shalt  }
0x6a: {  	_ =	shalt  }
0x6b: {  	_ =	shalt  }
0x6c: {  	_ =	shalt  }
0x6d: {  	_ =	shalt  }
0x6e: {  	_ =	shalt  }
0x6f: {  	_ =	shalt  }
0x70: {  	_ =	shalt  }
0x71: {  	_ =	shalt  }
0x72: {  	_ =	shalt  }
0x73: {  	_ =	shalt  }
0x74: {  	_ =	shalt  }
0x75: {  	_ =	shalt  }
0x76: {  	_ =	shalt  }
0x77: {  	_ =	shalt  }
0x78: {  	_ =	shalt  }
0x79: {  	_ =	shalt  }
0x7a: {  	_ =	shalt  }
0x7b: {  	_ =	shalt  }
0x7c: {  	_ =	shalt  }
0x7d: {  	_ =	shalt  }
0x7e: {  	_ =	shalt  }
0x7f: {  	_ =	shalt  }
0x80: {  	_ =	shalt  }
0x81: {  	_ =	shalt  }
0x82: {  	_ =	shalt  }
0x83: {  	_ =	shalt  }
0x84: {  	_ =	shalt  }
0x85: {  	_ =	shalt  }
0x86: {  	_ =	shalt  }
0x87: {  	_ =	shalt  }
.Lfunc_end0:
.L_simem_size_0:
called_computation_lowered:
.L_overlay_start_0:
0x88: {  	s1 =	sld [smem:$0x3FD9]  }
0x89: {  	s2 =	sld [smem:$0x3FFE];
	_ =	sdelay $0x1  }
0x8a: {  	s3 =	srdreg.scid  }
0x8b: {  	s0 =	sand.u32 $0x1, s3  }
0x8c: {  	s17 =	sshll.u32 s0, $0xA;
	s1 =	sadd.s32 s2, s1  }
0x8d: {  	s1 =	sadd.s32 s1, s17  }
0x8e: {  	[smem:$0x3FC5] =	sst s1  }
0x8f: {  	_ = 	snop  }
0x90: {  	(tm) =	ssettm $0x1  }
0x91: {  	s18 =	sld [smem:$0x3FFB];
	_ =	sdelay $0x3  }
0x92: {  	_ =	strace s18  }
0x93: {  	s1 =	sld [smem:$0x3FFC];
	_ =	sdelay $0x3  }
0x94: {  	_ =	strace s1  }
0x95: {  	s1 =	sld [smem:$0x3FFD];
	_ =	sdelay $0x3  }
0x96: {  	_ =	strace s1  }
0x97: {  	_ =	strace $0x8FFFFFFF  }
0x98: {  	s19 =	sld [smem:$0x3FDB];
	_ =	sdelay $0x1  }
0x99: {  	s20 =	simm.s32 $_scs_section_size  }
0x9a: {  	s4 =	simm.s32 $_size__tile_overlayer_lowered;
	s5 =	simm.s32 $_tile_overlayer_lowered  }
0x9b: {  	s23 =	simm.s32 $0x1BFF;
	s22 =	sshll.u32 s5, $0x1;
	s1 =	sadd.s32 s20, s19  }
0x9c: {  	s6 =	simm.s32 $0x0;
	s21 =	sshll.u32 s4, $0x1;
	s4 =	sadd.s32 s22, s1  }
0x9d: {  	[timem:s6], [sflag:s23] =	dma.local [hbm:s4], s21  }
0x9e: {  	_ =	swait.ge [sflag:s23], s21  }
0x9f: {  	s2 =	ssub.s32 $0x0, s21;
	[sflag:s23] =	ssyncset.done $0x0  }
0xa0: {  	[sflag:s23] =	ssyncadd.s32 s2;
	_ =	sdelay $0x1  }
0xa1: {  	s24 =	simm.s32 $0x1B8B  }
0xa2: {  	_ =	swait.ge [sflag:s24], $0x1  }
0xa3: {  	[sflag:s24] =	ssyncset.done $0x0  }
0xa4: {  	s25 =	simm.s32 $0x1B8E;
	[sflag:s24] =	ssyncadd.s32 $0xFFFFFFFF  }
0xa5: {  	s26 =	simm.s32 $execute0_lowered;
	[smem:$0x3FD2] =	sst s25  }
0xa6: {  	s2 =	sshll.u32 s26, $0x1;
	_ =	strace $0x80000046;
	[dreg:$0x1] =	wrdreg $0xFFFFFFFF  }
0xa7: {  	s28 =	simm.s32 $_size_execute0_lowered;
	s1 =	sadd.s32 s1, s2;
	[dreg:$0x0] =	wrdreg $0x0  }
0xa8: {  	s2 =	sshll.u32 s28, $0x1;
	[dreg:$0x2] =	wrdreg s1  }
0xa9: {  	[dreg:$0x3] =	wrdreg s2  }
0xaa: {  	[dreg:$0x4] =	wrdreg $0xC0  }
0xab: {  	_ =	task [dreg:s6], $0x5FFFF  }
0xac: {  	[dreg:$0x1] =	wrdreg $0xFFFFFFFF  }
0xad: {  	[dreg:$0x0] =	wrdreg $0x60  }
0xae: {  	[dreg:$0x2] =	wrdreg $0x9  }
0xaf: {  	_ =	task.clear_ibuf [dreg:s6], $0x3FFFF;
	_ =	strace $0x90000046  }
0xb0: {  	s29 =	simm.s32 $0x9;
	_ =	strace $0x80000048  }
0xb1: {  	_ =	swait.ge [sflag:s29], $0x1  }
0xb2: {  	[sflag:s29] =	ssyncadd.s32 $0xFFFFFFFF  }
0xb3: {  	_ =	strace $0x90000048  }
0xb4: {  	_ =	sfence  }
0xb5: {  	s30 =	sld [smem:$0x0];
	_ =	sdelay $0x2  }
0xb6: {  	s31 =	sshll.u32 s3, $0xD;
	s3 =	sshrl.u32 s3, $0x2  }
0xb7: {  	s2 =	sand.u32 $0x4000, s31;
	s1 =	sadd.s32 s3, s30  }
0xb8: {  	s0 =	sor.u32 s2, s0;
	s1 =	sshll.u32 s1, $0x11  }
0xb9: {  	s0 =	sor.u32 s1, s0  }
0xba: {  	s0 =	sadd.s32 $0x8F2B, s0  }
0xbb: {  	[sflag:s0] =	ssyncadd.remote.s32 $0x1  }
0xbc: {  	_ =	sfence.sel $0xFFFF  }
0xbd: {  	[dreg:$0x0] =	wrdreg $0xFFFFFFFF;
	(pc) =	sbr.abs _section_cstart, $3  }
0xbe: {  	[dreg:$0x1] =	wrdreg $0xFFFFFFFF  }
0xbf: {  	_ =	task.clear_ibuf [dreg:s6], $0x2FFFF;
	_ =	strace $0x9FFFFFFF  }
0xc0: {  	(tm) =	ssettm $0x7FFFFFFF  }
0xc1: {  	_ =	shalt  }
tec
execute0_lowered:
.L_overlay_start_1:
0x0: {  	(tag) =	ssettag $0x1  }
0x1: {  	s0 =	srdreg.scid  }
0x2: {  	s0 =	sand.u32 $0x1, s0  }
0x3: {  	s1 =	ssub.s32 $0x2, s0  }
0x4: {  	s2 =	sshrl.u32 s1, $0x1  }
0x5: {  	s3 =	simm.s32 $0x0;
	s0 =	rddreg [dreg:$0x0];
	s2 =	ssub.s32 s1, s2  }
0x6: {  	v0 =	vimm.f32 $0.0e+00;
	_ =	strace $0x80000047;
	s1 =	stileid.u32;
	s2 =	smax.u32 s2, $0x1  }
.LBB2_1:
0x7: {  	s4 =	simm.s32 $0x40;
	s5 =	simm.s32 $0x0  }
.LBB2_2:
0x8: {  	p0 =	sne.s32 s4, $0x31C0;
	[tilespmem:s5+$0x0] =	vst v0;
	s5 =	smov.u32 s4;
	s4 =	sadd.s32 $0x40, s4  }
.Ltmp0:
0x9: {  	(pc) =	sbr.rel @p0 .LBB2_2-.Ltmp0, $2  }
0xa: {  	_ =	sdelay $0x2  }
0xb: {  	s5 =	sshra.s32 s5, $0x2  }
0xc: {  	[tilespmem:s5+$0x0] =	vst v0  }
0xd: {  	[bflag:$0x0] =	sbarrier.arrive $0xFFFF  }
0xe: {  	s4 =	simm.s32 $0x40;
	s5 =	simm.s32 $0x0;
	[bflag:$0x0] =	sbarrier.arrive $0xFFFF  }
.LBB2_4:
0xf: {  	p0 =	sne.s32 s4, $0x31C0;
	[tilespmem:s5+$0x0] =	vst v0;
	s5 =	smov.u32 s4;
	s4 =	sadd.s32 $0x40, s4  }
.Ltmp1:
0x10: {  	(pc) =	sbr.rel @p0 .LBB2_4-.Ltmp1, $2  }
0x11: {  	_ =	sdelay $0x2  }
0x12: {  	s5 =	sshra.s32 s5, $0x2  }
0x13: {  	[tilespmem:s5+$0x0] =	vst v0  }
0x14: {  	[bflag:$0x0] =	sbarrier.arrive $0xFFFF  }
0x15: {  	s4 =	simm.s32 $0x40;
	s5 =	simm.s32 $0x0;
	[bflag:$0x0] =	sbarrier.arrive $0xFFFF  }
.LBB2_6:
0x16: {  	p0 =	sne.s32 s4, $0x31C0;
	[tilespmem:s5+$0x0] =	vst v0;
	s5 =	smov.u32 s4;
	s4 =	sadd.s32 $0x40, s4  }
.Ltmp2:
0x17: {  	(pc) =	sbr.rel @p0 .LBB2_6-.Ltmp2, $2  }
0x18: {  	_ =	sdelay $0x2  }
0x19: {  	s5 =	sshra.s32 s5, $0x2  }
0x1a: {  	s3 =	sadd.s32 $0x1, s3  }
0x1b: {  	p0 =	sne.s32 s3, s2  }
.Ltmp3:
0x1c: {  	_ = 	snop;
	(pc) =	sbr.rel @p0 .LBB2_1-.Ltmp3, $3  }
0x1d: {  	[tilespmem:s5+$0x0] =	vst v0  }
0x1e: {  	[bflag:$0x0] =	sbarrier.arrive $0xFFFF  }
0x1f: {  	[bflag:$0x0] =	sbarrier.arrive $0xFFFF;
	_ =	sdelay $0x1  }
0x20: {  	_ =	sfence.sel $0x180000  }
0x21: {  	[bflag:$0x0] =	sbarrier.arrive $0xFFFF  }
0x22: {  	p0 =	sne.s32 s1, $0x0;
	_ =	strace $0x90000047  }
0x23: {  	s0 =	sadd.s32 @!p0 $0x100000, s0;
	[bflag:$0x2] =	sbarrier.arrive $0xFFFF  }
0x24: {  	[sflag:s0] =	ssyncadd.tile.s32 @!p0 $0x1;
	_ =	shalt  }
.Lfunc_end2:
_tile_overlayer_lowered:
.L_overlay_start_2:
0x25: {  	(tag) =	ssettag $0x2  }
0x26: {  	s0 =	rddreg [dreg:$0x0];
	s2 =	stileid.u32  }
0x27: {  	s1 =	rddreg [dreg:$0x1];
	p0 =	sne.s32 s2, $0x0  }
0x28: {  	s3 =	rddreg [dreg:$0x2];
	[bflag:$0x3] =	sbarrier.arrive $0xFFFF;
	s2 =	simm.s32 @!p0 $0x1C01  }
0x29: {  	[timem:s3], [sflag:s2] =	dma.local @!p0 [hbm:s0], s1  }
0x2a: {  	s0 =	simm.s32 @!p0 $0x1  }
0x2b: {  	_ =	swait.ge @!p0 [sflag:s0], s1  }
0x2c: {  	s1 =	ssub.s32 @!p0 $0x0, s1;
	[sflag:s0] =	ssyncset.done @!p0 $0x0  }
0x2d: {  	[sflag:s0] =	ssyncadd.s32 @!p0 s1  }
0x2e: {  	[bflag:$0x3] =	sbarrier.arrive $0xFFFF  }
0x2f: {  	_ =	shalt  }

</sc_bundles>
